<compile_context>
chip_gen: v7x
topology: tpu7x:2x2x1
jax: 0.10.2.dev20260603
libtpu: 0.0.44.dev20260713+nightly
codegen_flags: <defaults>
</compile_context>

<pallas_src>
import jax
import jax.numpy as jnp
from jax.experimental import pallas as pl

DIM_ = 1024
NHEADS_ = 16
HDIM_ = 64
TBLK_ = 512


def _fused_body(xT_ref, wqkv_ref, wproj_ref, b_ref, out_ref):
    H, D = NHEADS_, HDIM_
    xT = xT_ref[...]
    T = xT.shape[1]
    qkvT = jnp.dot(wqkv_ref[...], xT,
                   preferred_element_type=jnp.float32)
    scale = float(D) ** -0.5
    qT = qkvT[0:DIM_, :] * scale
    kT = qkvT[DIM_:2 * DIM_, :]
    vT = qkvT[2 * DIM_:3 * DIM_, :]
    q3 = qT.reshape(H, D, T)
    k3 = kT.reshape(H, D, T)
    v3 = vT.reshape(H, D, T)
    outs = []
    for h in range(H):
        s_h = jnp.sum(q3[h][None, :, :] * k3, axis=1)
        m = jnp.max(s_h, axis=0, keepdims=True)
        e = jnp.exp(s_h - m)
        r = 1.0 / jnp.sum(e, axis=0, keepdims=True)
        p = e * r
        o_h = jnp.sum(p[:, None, :] * v3, axis=0)
        outs.append(o_h)
    outT = jnp.concatenate(outs, axis=0)
    yT = jnp.dot(wproj_ref[...], outT.astype(jnp.bfloat16),
                 preferred_element_type=jnp.float32)
    out_ref[...] = yT + b_ref[...]


def kernel(x, W_qkv, W_proj, b_proj):
    N, C = x.shape
    xT = x.T.astype(jnp.bfloat16)
    W_qkv = W_qkv.astype(jnp.bfloat16)
    W_proj = W_proj.astype(jnp.bfloat16)
    b2 = b_proj.reshape(C, 1)
    grid = (N // TBLK_,)
    yT = pl.pallas_call(
        _fused_body,
        grid=grid,
        in_specs=[
            pl.BlockSpec((C, TBLK_), lambda i: (0, i)),
            pl.BlockSpec((3 * C, C), lambda i: (0, 0)),
            pl.BlockSpec((C, C), lambda i: (0, 0)),
            pl.BlockSpec((C, 1), lambda i: (0, 0)),
        ],
        out_specs=pl.BlockSpec((C, TBLK_), lambda i: (0, i)),
        out_shape=jax.ShapeDtypeStruct((C, N), jnp.float32),
    )(xT, W_qkv, W_proj, b2)
    return yT.T

# --- scband reference (transcript-rebuilt; emitter-appended) ---
"""Pipeline reference for scband-self-attention-91293824844272 (READ-ONLY COPY).

The authoritative reference and input builder live on the scoring server;
editing this copy changes nothing except your own understanding.
"""

import jax, jax.numpy as jnp
import numpy as np

DIM = 1024
NUM_HEADS = 16
N_TOK = 8192

def setup_inputs(seed: int = 0) -> dict:
    key = jax.random.key(seed)
    k1, k2, k3 = jax.random.split(key, 3)
    x = jax.random.normal(k1, (N_TOK, DIM), dtype=jnp.float32)
    # Xavier-uniform init for linear weights (torch layout: [out_features, in_features])
    def xavier(k, out_f, in_f):
        limit = float(np.sqrt(6.0 / (in_f + out_f)))
        return jax.random.uniform(k, (out_f, in_f), dtype=jnp.float32, minval=-limit, maxval=limit)
    W_qkv = xavier(k2, 3 * DIM, DIM)  # qkv_bias=False -> no bias
    W_proj = xavier(k3, DIM, DIM)
    b_proj = jnp.zeros((DIM,), dtype=jnp.float32)
    return {"x": x, "W_qkv": W_qkv, "W_proj": W_proj, "b_proj": b_proj}

def reference(x, W_qkv, W_proj, b_proj):
    N, C = x.shape
    H = NUM_HEADS
    d = C // H
    scale = d ** (-0.5)
    # qkv linear (no bias), reshape/permute exactly like torch code
    qkv = (x @ W_qkv.T).reshape(N, 3, H, d)
    qkv = jnp.transpose(qkv, (1, 0, 2, 3))
    q, k, v = qkv[0], qkv[1], qkv[2]  # each [N, H, d]
    # dense path (use_local=False): per-token attention across heads [N, H, H]
    attn = jnp.matmul(q, jnp.swapaxes(k, -2, -1)) * scale
    attn = jax.nn.softmax(attn, axis=-1)
    # dropout with p=0.0 is identity
    out = jnp.matmul(attn, v)  # [N, H, d]
    out = out.reshape(N, C)
    out = out @ W_proj.T + b_proj
    return out

if __name__ == "__main__":
    import jax
    _d = setup_inputs()
    print(jax.jit(kernel)(*tuple(_d.values())))

</pallas_src>

<mosaic_0001>
module attributes {stable_mosaic.version = 14 : i64} {
  func.func @_fused_body(%arg0: i32, %arg1: memref<1024x512xbf16, #tpu.memory_space<vmem>>, %arg2: memref<3072x1024xbf16, #tpu.memory_space<vmem>>, %arg3: memref<1024x1024xbf16, #tpu.memory_space<vmem>>, %arg4: memref<1024x1xf32, #tpu.memory_space<vmem>>, %arg5: memref<1024x512xf32, #tpu.memory_space<vmem>>) attributes {dimension_semantics = [#tpu.dimension_semantics<arbitrary>], iteration_bounds = array<i64: 16>, scalar_prefetch = 0 : i64, scratch_operands = 0 : i64, tpu.core_type = #tpu.core_type<tc>, window_params = [{transform_indices = @transform_0, window_bounds = array<i64: 1024, 512>}, {pipeline_mode = #tpu.pipeline_mode<synchronous>, transform_indices = @transform_1, window_bounds = array<i64: 3072, 1024>}, {pipeline_mode = #tpu.pipeline_mode<synchronous>, transform_indices = @transform_2, window_bounds = array<i64: 1024, 1024>}, {pipeline_mode = #tpu.pipeline_mode<synchronous>, transform_indices = @transform_3, window_bounds = array<i64: 1024, 1>}, {transform_indices = @transform_4, window_bounds = array<i64: 1024, 512>}]} {
    %get3A = arith.constant 0 : index
    %get3A_0 = arith.constant 0 : index
    %get3A_1 = vector.load %arg1[%get3A, %get3A_0] : memref<1024x512xbf16, #tpu.memory_space<vmem>>, vector<1024x512xbf16>
    %get3A_2 = arith.constant 0 : index
    %get3A_3 = arith.constant 0 : index
    %get3A_4 = vector.load %arg2[%get3A_2, %get3A_3] : memref<3072x1024xbf16, #tpu.memory_space<vmem>>, vector<3072x1024xbf16>
    %dot_general3A = arith.constant dense<0.000000e+00> : vector<3072x512xf32>
    %dot_general3A_5 = tpu.matmul %get3A_4, %get3A_1, %dot_general3A {dimension_numbers = #tpu.dot_dimension_numbers<[1], [0], [0], [1], [0, 0, 1, 1], [], []>, transpose_lhs_hint = false} : vector<3072x1024xbf16>, vector<1024x512xbf16>, vector<3072x512xf32> -> vector<3072x512xf32>
    %slice3A = vector.extract_strided_slice %dot_general3A_5 {offsets = [0, 0], sizes = [1024, 512], strides = [1, 1]} : vector<3072x512xf32> to vector<1024x512xf32>
    %mul3A = arith.constant 1.250000e-01 : f32
    %mul3A_6 = vector.broadcast %mul3A : f32 to vector<1024x512xf32>
    %mul3A_7 = arith.mulf %slice3A, %mul3A_6 : vector<1024x512xf32>
    %slice3A_8 = vector.extract_strided_slice %dot_general3A_5 {offsets = [1024, 0], sizes = [1024, 512], strides = [1, 1]} : vector<3072x512xf32> to vector<1024x512xf32>
    %slice3A_9 = vector.extract_strided_slice %dot_general3A_5 {offsets = [2048, 0], sizes = [1024, 512], strides = [1, 1]} : vector<3072x512xf32> to vector<1024x512xf32>
    %reshape3A = vector.shape_cast %mul3A_7 : vector<1024x512xf32> to vector<16x64x512xf32>
    %reshape3A_10 = vector.shape_cast %slice3A_8 : vector<1024x512xf32> to vector<16x64x512xf32>
    %reshape3A_11 = vector.shape_cast %slice3A_9 : vector<1024x512xf32> to vector<16x64x512xf32>
    %slice3A_12 = vector.extract_strided_slice %reshape3A {offsets = [0, 0, 0], sizes = [1, 64, 512], strides = [1, 1, 1]} : vector<16x64x512xf32> to vector<1x64x512xf32>
    %squeeze3A = vector.shape_cast %slice3A_12 : vector<1x64x512xf32> to vector<64x512xf32>
    %broadcast_in_dim3A = vector.shape_cast %squeeze3A : vector<64x512xf32> to vector<1x64x512xf32>
    %mul3A_13 = vector.broadcast %broadcast_in_dim3A : vector<1x64x512xf32> to vector<16x64x512xf32>
    %mul3A_14 = arith.mulf %mul3A_13, %reshape3A_10 : vector<16x64x512xf32>
    %reduce_sum3A = arith.constant dense<0.000000e+00> : vector<16x512xf32>
    %reduce_sum3A_15 = vector.multi_reduction <add>, %mul3A_14, %reduce_sum3A [1] : vector<16x64x512xf32> to vector<16x512xf32>
    %reduce_max3A = arith.constant dense<0xFF800000> : vector<512xf32>
    %reduce_max3A_16 = vector.multi_reduction <maximumf>, %reduce_sum3A_15, %reduce_max3A [0] : vector<16x512xf32> to vector<512xf32>
    %broadcast_in_dim3A_17 = vector.shape_cast %reduce_max3A_16 : vector<512xf32> to vector<1x512xf32>
    %sub3A = vector.broadcast %broadcast_in_dim3A_17 : vector<1x512xf32> to vector<16x512xf32>
    %sub3A_18 = arith.subf %reduce_sum3A_15, %sub3A : vector<16x512xf32>
    %exp3A = math.exp %sub3A_18 : vector<16x512xf32>
    %reduce_sum3A_19 = arith.constant dense<0.000000e+00> : vector<512xf32>
    %reduce_sum3A_20 = vector.multi_reduction <add>, %exp3A, %reduce_sum3A_19 [0] : vector<16x512xf32> to vector<512xf32>
    %broadcast_in_dim3A_21 = vector.shape_cast %reduce_sum3A_20 : vector<512xf32> to vector<1x512xf32>
    %div3A = arith.constant 1.000000e+00 : f32
    %div3A_22 = vector.broadcast %div3A : f32 to vector<1x512xf32>
    %div3A_23 = arith.divf %div3A_22, %broadcast_in_dim3A_21 : vector<1x512xf32>
    %mul3A_24 = vector.broadcast %div3A_23 : vector<1x512xf32> to vector<16x512xf32>
    %mul3A_25 = arith.mulf %exp3A, %mul3A_24 : vector<16x512xf32>
    %broadcast_in_dim3A_26 = vector.shape_cast %mul3A_25 : vector<16x512xf32> to vector<16x1x512xf32>
    %mul3A_27 = vector.broadcast %broadcast_in_dim3A_26 : vector<16x1x512xf32> to vector<16x64x512xf32>
    %mul3A_28 = arith.mulf %mul3A_27, %reshape3A_11 : vector<16x64x512xf32>
    %reduce_sum3A_29 = arith.constant dense<0.000000e+00> : vector<64x512xf32>
    %reduce_sum3A_30 = vector.multi_reduction <add>, %mul3A_28, %reduce_sum3A_29 [0] : vector<16x64x512xf32> to vector<64x512xf32>
    %slice3A_31 = vector.extract_strided_slice %reshape3A {offsets = [1, 0, 0], sizes = [1, 64, 512], strides = [1, 1, 1]} : vector<16x64x512xf32> to vector<1x64x512xf32>
    %squeeze3A_32 = vector.shape_cast %slice3A_31 : vector<1x64x512xf32> to vector<64x512xf32>
    %broadcast_in_dim3A_33 = vector.shape_cast %squeeze3A_32 : vector<64x512xf32> to vector<1x64x512xf32>
    %mul3A_34 = vector.broadcast %broadcast_in_dim3A_33 : vector<1x64x512xf32> to vector<16x64x512xf32>
    %mul3A_35 = arith.mulf %mul3A_34, %reshape3A_10 : vector<16x64x512xf32>
    %reduce_sum3A_36 = arith.constant dense<0.000000e+00> : vector<16x512xf32>
    %reduce_sum3A_37 = vector.multi_reduction <add>, %mul3A_35, %reduce_sum3A_36 [1] : vector<16x64x512xf32> to vector<16x512xf32>
    %reduce_max3A_38 = arith.constant dense<0xFF800000> : vector<512xf32>
    %reduce_max3A_39 = vector.multi_reduction <maximumf>, %reduce_sum3A_37, %reduce_max3A_38 [0] : vector<16x512xf32> to vector<512xf32>
    %broadcast_in_dim3A_40 = vector.shape_cast %reduce_max3A_39 : vector<512xf32> to vector<1x512xf32>
    %sub3A_41 = vector.broadcast %broadcast_in_dim3A_40 : vector<1x512xf32> to vector<16x512xf32>
    %sub3A_42 = arith.subf %reduce_sum3A_37, %sub3A_41 : vector<16x512xf32>
    %exp3A_43 = math.exp %sub3A_42 : vector<16x512xf32>
    %reduce_sum3A_44 = arith.constant dense<0.000000e+00> : vector<512xf32>
    %reduce_sum3A_45 = vector.multi_reduction <add>, %exp3A_43, %reduce_sum3A_44 [0] : vector<16x512xf32> to vector<512xf32>
    %broadcast_in_dim3A_46 = vector.shape_cast %reduce_sum3A_45 : vector<512xf32> to vector<1x512xf32>
    %div3A_47 = arith.constant 1.000000e+00 : f32
    %div3A_48 = vector.broadcast %div3A_47 : f32 to vector<1x512xf32>
    %div3A_49 = arith.divf %div3A_48, %broadcast_in_dim3A_46 : vector<1x512xf32>
    %mul3A_50 = vector.broadcast %div3A_49 : vector<1x512xf32> to vector<16x512xf32>
    %mul3A_51 = arith.mulf %exp3A_43, %mul3A_50 : vector<16x512xf32>
    %broadcast_in_dim3A_52 = vector.shape_cast %mul3A_51 : vector<16x512xf32> to vector<16x1x512xf32>
    %mul3A_53 = vector.broadcast %broadcast_in_dim3A_52 : vector<16x1x512xf32> to vector<16x64x512xf32>
    %mul3A_54 = arith.mulf %mul3A_53, %reshape3A_11 : vector<16x64x512xf32>
    %reduce_sum3A_55 = arith.constant dense<0.000000e+00> : vector<64x512xf32>
    %reduce_sum3A_56 = vector.multi_reduction <add>, %mul3A_54, %reduce_sum3A_55 [0] : vector<16x64x512xf32> to vector<64x512xf32>
    %slice3A_57 = vector.extract_strided_slice %reshape3A {offsets = [2, 0, 0], sizes = [1, 64, 512], strides = [1, 1, 1]} : vector<16x64x512xf32> to vector<1x64x512xf32>
    %squeeze3A_58 = vector.shape_cast %slice3A_57 : vector<1x64x512xf32> to vector<64x512xf32>
    %broadcast_in_dim3A_59 = vector.shape_cast %squeeze3A_58 : vector<64x512xf32> to vector<1x64x512xf32>
    %mul3A_60 = vector.broadcast %broadcast_in_dim3A_59 : vector<1x64x512xf32> to vector<16x64x512xf32>
    %mul3A_61 = arith.mulf %mul3A_60, %reshape3A_10 : vector<16x64x512xf32>
    %reduce_sum3A_62 = arith.constant dense<0.000000e+00> : vector<16x512xf32>
    %reduce_sum3A_63 = vector.multi_reduction <add>, %mul3A_61, %reduce_sum3A_62 [1] : vector<16x64x512xf32> to vector<16x512xf32>
    %reduce_max3A_64 = arith.constant dense<0xFF800000> : vector<512xf32>
    %reduce_max3A_65 = vector.multi_reduction <maximumf>, %reduce_sum3A_63, %reduce_max3A_64 [0] : vector<16x512xf32> to vector<512xf32>
    %broadcast_in_dim3A_66 = vector.shape_cast %reduce_max3A_65 : vector<512xf32> to vector<1x512xf32>
    %sub3A_67 = vector.broadcast %broadcast_in_dim3A_66 : vector<1x512xf32> to vector<16x512xf32>
    %sub3A_68 = arith.subf %reduce_sum3A_63, %sub3A_67 : vector<16x512xf32>
    %exp3A_69 = math.exp %sub3A_68 : vector<16x512xf32>
    %reduce_sum3A_70 = arith.constant dense<0.000000e+00> : vector<512xf32>
    %reduce_sum3A_71 = vector.multi_reduction <add>, %exp3A_69, %reduce_sum3A_70 [0] : vector<16x512xf32> to vector<512xf32>
    %broadcast_in_dim3A_72 = vector.shape_cast %reduce_sum3A_71 : vector<512xf32> to vector<1x512xf32>
    %div3A_73 = arith.constant 1.000000e+00 : f32
    %div3A_74 = vector.broadcast %div3A_73 : f32 to vector<1x512xf32>
    %div3A_75 = arith.divf %div3A_74, %broadcast_in_dim3A_72 : vector<1x512xf32>
    %mul3A_76 = vector.broadcast %div3A_75 : vector<1x512xf32> to vector<16x512xf32>
    %mul3A_77 = arith.mulf %exp3A_69, %mul3A_76 : vector<16x512xf32>
    %broadcast_in_dim3A_78 = vector.shape_cast %mul3A_77 : vector<16x512xf32> to vector<16x1x512xf32>
    %mul3A_79 = vector.broadcast %broadcast_in_dim3A_78 : vector<16x1x512xf32> to vector<16x64x512xf32>
    %mul3A_80 = arith.mulf %mul3A_79, %reshape3A_11 : vector<16x64x512xf32>
    %reduce_sum3A_81 = arith.constant dense<0.000000e+00> : vector<64x512xf32>
    %reduce_sum3A_82 = vector.multi_reduction <add>, %mul3A_80, %reduce_sum3A_81 [0] : vector<16x64x512xf32> to vector<64x512xf32>
    %slice3A_83 = vector.extract_strided_slice %reshape3A {offsets = [3, 0, 0], sizes = [1, 64, 512], strides = [1, 1, 1]} : vector<16x64x512xf32> to vector<1x64x512xf32>
    %squeeze3A_84 = vector.shape_cast %slice3A_83 : vector<1x64x512xf32> to vector<64x512xf32>
    %broadcast_in_dim3A_85 = vector.shape_cast %squeeze3A_84 : vector<64x512xf32> to vector<1x64x512xf32>
    %mul3A_86 = vector.broadcast %broadcast_in_dim3A_85 : vector<1x64x512xf32> to vector<16x64x512xf32>
    %mul3A_87 = arith.mulf %mul3A_86, %reshape3A_10 : vector<16x64x512xf32>
    %reduce_sum3A_88 = arith.constant dense<0.000000e+00> : vector<16x512xf32>
    %reduce_sum3A_89 = vector.multi_reduction <add>, %mul3A_87, %reduce_sum3A_88 [1] : vector<16x64x512xf32> to vector<16x512xf32>
    %reduce_max3A_90 = arith.constant dense<0xFF800000> : vector<512xf32>
    %reduce_max3A_91 = vector.multi_reduction <maximumf>, %reduce_sum3A_89, %reduce_max3A_90 [0] : vector<16x512xf32> to vector<512xf32>
    %broadcast_in_dim3A_92 = vector.shape_cast %reduce_max3A_91 : vector<512xf32> to vector<1x512xf32>
    %sub3A_93 = vector.broadcast %broadcast_in_dim3A_92 : vector<1x512xf32> to vector<16x512xf32>
    %sub3A_94 = arith.subf %reduce_sum3A_89, %sub3A_93 : vector<16x512xf32>
    %exp3A_95 = math.exp %sub3A_94 : vector<16x512xf32>
    %reduce_sum3A_96 = arith.constant dense<0.000000e+00> : vector<512xf32>
    %reduce_sum3A_97 = vector.multi_reduction <add>, %exp3A_95, %reduce_sum3A_96 [0] : vector<16x512xf32> to vector<512xf32>
    %broadcast_in_dim3A_98 = vector.shape_cast %reduce_sum3A_97 : vector<512xf32> to vector<1x512xf32>
    %div3A_99 = arith.constant 1.000000e+00 : f32
    %div3A_100 = vector.broadcast %div3A_99 : f32 to vector<1x512xf32>
    %div3A_101 = arith.divf %div3A_100, %broadcast_in_dim3A_98 : vector<1x512xf32>
    %mul3A_102 = vector.broadcast %div3A_101 : vector<1x512xf32> to vector<16x512xf32>
    %mul3A_103 = arith.mulf %exp3A_95, %mul3A_102 : vector<16x512xf32>
    %broadcast_in_dim3A_104 = vector.shape_cast %mul3A_103 : vector<16x512xf32> to vector<16x1x512xf32>
    %mul3A_105 = vector.broadcast %broadcast_in_dim3A_104 : vector<16x1x512xf32> to vector<16x64x512xf32>
    %mul3A_106 = arith.mulf %mul3A_105, %reshape3A_11 : vector<16x64x512xf32>
    %reduce_sum3A_107 = arith.constant dense<0.000000e+00> : vector<64x512xf32>
    %reduce_sum3A_108 = vector.multi_reduction <add>, %mul3A_106, %reduce_sum3A_107 [0] : vector<16x64x512xf32> to vector<64x512xf32>
    %slice3A_109 = vector.extract_strided_slice %reshape3A {offsets = [4, 0, 0], sizes = [1, 64, 512], strides = [1, 1, 1]} : vector<16x64x512xf32> to vector<1x64x512xf32>
    %squeeze3A_110 = vector.shape_cast %slice3A_109 : vector<1x64x512xf32> to vector<64x512xf32>
    %broadcast_in_dim3A_111 = vector.shape_cast %squeeze3A_110 : vector<64x512xf32> to vector<1x64x512xf32>
    %mul3A_112 = vector.broadcast %broadcast_in_dim3A_111 : vector<1x64x512xf32> to vector<16x64x512xf32>
    %mul3A_113 = arith.mulf %mul3A_112, %reshape3A_10 : vector<16x64x512xf32>
    %reduce_sum3A_114 = arith.constant dense<0.000000e+00> : vector<16x512xf32>
    %reduce_sum3A_115 = vector.multi_reduction <add>, %mul3A_113, %reduce_sum3A_114 [1] : vector<16x64x512xf32> to vector<16x512xf32>
    %reduce_max3A_116 = arith.constant dense<0xFF800000> : vector<512xf32>
    %reduce_max3A_117 = vector.multi_reduction <maximumf>, %reduce_sum3A_115, %reduce_max3A_116 [0] : vector<16x512xf32> to vector<512xf32>
    %broadcast_in_dim3A_118 = vector.shape_cast %reduce_max3A_117 : vector<512xf32> to vector<1x512xf32>
    %sub3A_119 = vector.broadcast %broadcast_in_dim3A_118 : vector<1x512xf32> to vector<16x512xf32>
    %sub3A_120 = arith.subf %reduce_sum3A_115, %sub3A_119 : vector<16x512xf32>
    %exp3A_121 = math.exp %sub3A_120 : vector<16x512xf32>
    %reduce_sum3A_122 = arith.constant dense<0.000000e+00> : vector<512xf32>
    %reduce_sum3A_123 = vector.multi_reduction <add>, %exp3A_121, %reduce_sum3A_122 [0] : vector<16x512xf32> to vector<512xf32>
    %broadcast_in_dim3A_124 = vector.shape_cast %reduce_sum3A_123 : vector<512xf32> to vector<1x512xf32>
    %div3A_125 = arith.constant 1.000000e+00 : f32
    %div3A_126 = vector.broadcast %div3A_125 : f32 to vector<1x512xf32>
    %div3A_127 = arith.divf %div3A_126, %broadcast_in_dim3A_124 : vector<1x512xf32>
    %mul3A_128 = vector.broadcast %div3A_127 : vector<1x512xf32> to vector<16x512xf32>
    %mul3A_129 = arith.mulf %exp3A_121, %mul3A_128 : vector<16x512xf32>
    %broadcast_in_dim3A_130 = vector.shape_cast %mul3A_129 : vector<16x512xf32> to vector<16x1x512xf32>
    %mul3A_131 = vector.broadcast %broadcast_in_dim3A_130 : vector<16x1x512xf32> to vector<16x64x512xf32>
    %mul3A_132 = arith.mulf %mul3A_131, %reshape3A_11 : vector<16x64x512xf32>
    %reduce_sum3A_133 = arith.constant dense<0.000000e+00> : vector<64x512xf32>
    %reduce_sum3A_134 = vector.multi_reduction <add>, %mul3A_132, %reduce_sum3A_133 [0] : vector<16x64x512xf32> to vector<64x512xf32>
    %slice3A_135 = vector.extract_strided_slice %reshape3A {offsets = [5, 0, 0], sizes = [1, 64, 512], strides = [1, 1, 1]} : vector<16x64x512xf32> to vector<1x64x512xf32>
    %squeeze3A_136 = vector.shape_cast %slice3A_135 : vector<1x64x512xf32> to vector<64x512xf32>
    %broadcast_in_dim3A_137 = vector.shape_cast %squeeze3A_136 : vector<64x512xf32> to vector<1x64x512xf32>
    %mul3A_138 = vector.broadcast %broadcast_in_dim3A_137 : vector<1x64x512xf32> to vector<16x64x512xf32>
    %mul3A_139 = arith.mulf %mul3A_138, %reshape3A_10 : vector<16x64x512xf32>
    %reduce_sum3A_140 = arith.constant dense<0.000000e+00> : vector<16x512xf32>
    %reduce_sum3A_141 = vector.multi_reduction <add>, %mul3A_139, %reduce_sum3A_140 [1] : vector<16x64x512xf32> to vector<16x512xf32>
    %reduce_max3A_142 = arith.constant dense<0xFF800000> : vector<512xf32>
    %reduce_max3A_143 = vector.multi_reduction <maximumf>, %reduce_sum3A_141, %reduce_max3A_142 [0] : vector<16x512xf32> to vector<512xf32>
    %broadcast_in_dim3A_144 = vector.shape_cast %reduce_max3A_143 : vector<512xf32> to vector<1x512xf32>
    %sub3A_145 = vector.broadcast %broadcast_in_dim3A_144 : vector<1x512xf32> to vector<16x512xf32>
    %sub3A_146 = arith.subf %reduce_sum3A_141, %sub3A_145 : vector<16x512xf32>
    %exp3A_147 = math.exp %sub3A_146 : vector<16x512xf32>
    %reduce_sum3A_148 = arith.constant dense<0.000000e+00> : vector<512xf32>
    %reduce_sum3A_149 = vector.multi_reduction <add>, %exp3A_147, %reduce_sum3A_148 [0] : vector<16x512xf32> to vector<512xf32>
    %broadcast_in_dim3A_150 = vector.shape_cast %reduce_sum3A_149 : vector<512xf32> to vector<1x512xf32>
    %div3A_151 = arith.constant 1.000000e+00 : f32
    %div3A_152 = vector.broadcast %div3A_151 : f32 to vector<1x512xf32>
    %div3A_153 = arith.divf %div3A_152, %broadcast_in_dim3A_150 : vector<1x512xf32>
    %mul3A_154 = vector.broadcast %div3A_153 : vector<1x512xf32> to vector<16x512xf32>
    %mul3A_155 = arith.mulf %exp3A_147, %mul3A_154 : vector<16x512xf32>
    %broadcast_in_dim3A_156 = vector.shape_cast %mul3A_155 : vector<16x512xf32> to vector<16x1x512xf32>
    %mul3A_157 = vector.broadcast %broadcast_in_dim3A_156 : vector<16x1x512xf32> to vector<16x64x512xf32>
    %mul3A_158 = arith.mulf %mul3A_157, %reshape3A_11 : vector<16x64x512xf32>
    %reduce_sum3A_159 = arith.constant dense<0.000000e+00> : vector<64x512xf32>
    %reduce_sum3A_160 = vector.multi_reduction <add>, %mul3A_158, %reduce_sum3A_159 [0] : vector<16x64x512xf32> to vector<64x512xf32>
    %slice3A_161 = vector.extract_strided_slice %reshape3A {offsets = [6, 0, 0], sizes = [1, 64, 512], strides = [1, 1, 1]} : vector<16x64x512xf32> to vector<1x64x512xf32>
    %squeeze3A_162 = vector.shape_cast %slice3A_161 : vector<1x64x512xf32> to vector<64x512xf32>
    %broadcast_in_dim3A_163 = vector.shape_cast %squeeze3A_162 : vector<64x512xf32> to vector<1x64x512xf32>
    %mul3A_164 = vector.broadcast %broadcast_in_dim3A_163 : vector<1x64x512xf32> to vector<16x64x512xf32>
    %mul3A_165 = arith.mulf %mul3A_164, %reshape3A_10 : vector<16x64x512xf32>
    %reduce_sum3A_166 = arith.constant dense<0.000000e+00> : vector<16x512xf32>
    %reduce_sum3A_167 = vector.multi_reduction <add>, %mul3A_165, %reduce_sum3A_166 [1] : vector<16x64x512xf32> to vector<16x512xf32>
    %reduce_max3A_168 = arith.constant dense<0xFF800000> : vector<512xf32>
    %reduce_max3A_169 = vector.multi_reduction <maximumf>, %reduce_sum3A_167, %reduce_max3A_168 [0] : vector<16x512xf32> to vector<512xf32>
    %broadcast_in_dim3A_170 = vector.shape_cast %reduce_max3A_169 : vector<512xf32> to vector<1x512xf32>
    %sub3A_171 = vector.broadcast %broadcast_in_dim3A_170 : vector<1x512xf32> to vector<16x512xf32>
    %sub3A_172 = arith.subf %reduce_sum3A_167, %sub3A_171 : vector<16x512xf32>
    %exp3A_173 = math.exp %sub3A_172 : vector<16x512xf32>
    %reduce_sum3A_174 = arith.constant dense<0.000000e+00> : vector<512xf32>
    %reduce_sum3A_175 = vector.multi_reduction <add>, %exp3A_173, %reduce_sum3A_174 [0] : vector<16x512xf32> to vector<512xf32>
    %broadcast_in_dim3A_176 = vector.shape_cast %reduce_sum3A_175 : vector<512xf32> to vector<1x512xf32>
    %div3A_177 = arith.constant 1.000000e+00 : f32
    %div3A_178 = vector.broadcast %div3A_177 : f32 to vector<1x512xf32>
    %div3A_179 = arith.divf %div3A_178, %broadcast_in_dim3A_176 : vector<1x512xf32>
    %mul3A_180 = vector.broadcast %div3A_179 : vector<1x512xf32> to vector<16x512xf32>
    %mul3A_181 = arith.mulf %exp3A_173, %mul3A_180 : vector<16x512xf32>
    %broadcast_in_dim3A_182 = vector.shape_cast %mul3A_181 : vector<16x512xf32> to vector<16x1x512xf32>
    %mul3A_183 = vector.broadcast %broadcast_in_dim3A_182 : vector<16x1x512xf32> to vector<16x64x512xf32>
    %mul3A_184 = arith.mulf %mul3A_183, %reshape3A_11 : vector<16x64x512xf32>
    %reduce_sum3A_185 = arith.constant dense<0.000000e+00> : vector<64x512xf32>
    %reduce_sum3A_186 = vector.multi_reduction <add>, %mul3A_184, %reduce_sum3A_185 [0] : vector<16x64x512xf32> to vector<64x512xf32>
    %slice3A_187 = vector.extract_strided_slice %reshape3A {offsets = [7, 0, 0], sizes = [1, 64, 512], strides = [1, 1, 1]} : vector<16x64x512xf32> to vector<1x64x512xf32>
    %squeeze3A_188 = vector.shape_cast %slice3A_187 : vector<1x64x512xf32> to vector<64x512xf32>
    %broadcast_in_dim3A_189 = vector.shape_cast %squeeze3A_188 : vector<64x512xf32> to vector<1x64x512xf32>
    %mul3A_190 = vector.broadcast %broadcast_in_dim3A_189 : vector<1x64x512xf32> to vector<16x64x512xf32>
    %mul3A_191 = arith.mulf %mul3A_190, %reshape3A_10 : vector<16x64x512xf32>
    %reduce_sum3A_192 = arith.constant dense<0.000000e+00> : vector<16x512xf32>
    %reduce_sum3A_193 = vector.multi_reduction <add>, %mul3A_191, %reduce_sum3A_192 [1] : vector<16x64x512xf32> to vector<16x512xf32>
    %reduce_max3A_194 = arith.constant dense<0xFF800000> : vector<512xf32>
    %reduce_max3A_195 = vector.multi_reduction <maximumf>, %reduce_sum3A_193, %reduce_max3A_194 [0] : vector<16x512xf32> to vector<512xf32>
    %broadcast_in_dim3A_196 = vector.shape_cast %reduce_max3A_195 : vector<512xf32> to vector<1x512xf32>
    %sub3A_197 = vector.broadcast %broadcast_in_dim3A_196 : vector<1x512xf32> to vector<16x512xf32>
    %sub3A_198 = arith.subf %reduce_sum3A_193, %sub3A_197 : vector<16x512xf32>
    %exp3A_199 = math.exp %sub3A_198 : vector<16x512xf32>
    %reduce_sum3A_200 = arith.constant dense<0.000000e+00> : vector<512xf32>
    %reduce_sum3A_201 = vector.multi_reduction <add>, %exp3A_199, %reduce_sum3A_200 [0] : vector<16x512xf32> to vector<512xf32>
    %broadcast_in_dim3A_202 = vector.shape_cast %reduce_sum3A_201 : vector<512xf32> to vector<1x512xf32>
    %div3A_203 = arith.constant 1.000000e+00 : f32
    %div3A_204 = vector.broadcast %div3A_203 : f32 to vector<1x512xf32>
    %div3A_205 = arith.divf %div3A_204, %broadcast_in_dim3A_202 : vector<1x512xf32>
    %mul3A_206 = vector.broadcast %div3A_205 : vector<1x512xf32> to vector<16x512xf32>
    %mul3A_207 = arith.mulf %exp3A_199, %mul3A_206 : vector<16x512xf32>
    %broadcast_in_dim3A_208 = vector.shape_cast %mul3A_207 : vector<16x512xf32> to vector<16x1x512xf32>
    %mul3A_209 = vector.broadcast %broadcast_in_dim3A_208 : vector<16x1x512xf32> to vector<16x64x512xf32>
    %mul3A_210 = arith.mulf %mul3A_209, %reshape3A_11 : vector<16x64x512xf32>
    %reduce_sum3A_211 = arith.constant dense<0.000000e+00> : vector<64x512xf32>
    %reduce_sum3A_212 = vector.multi_reduction <add>, %mul3A_210, %reduce_sum3A_211 [0] : vector<16x64x512xf32> to vector<64x512xf32>
    %slice3A_213 = vector.extract_strided_slice %reshape3A {offsets = [8, 0, 0], sizes = [1, 64, 512], strides = [1, 1, 1]} : vector<16x64x512xf32> to vector<1x64x512xf32>
    %squeeze3A_214 = vector.shape_cast %slice3A_213 : vector<1x64x512xf32> to vector<64x512xf32>
    %broadcast_in_dim3A_215 = vector.shape_cast %squeeze3A_214 : vector<64x512xf32> to vector<1x64x512xf32>
    %mul3A_216 = vector.broadcast %broadcast_in_dim3A_215 : vector<1x64x512xf32> to vector<16x64x512xf32>
    %mul3A_217 = arith.mulf %mul3A_216, %reshape3A_10 : vector<16x64x512xf32>
    %reduce_sum3A_218 = arith.constant dense<0.000000e+00> : vector<16x512xf32>
    %reduce_sum3A_219 = vector.multi_reduction <add>, %mul3A_217, %reduce_sum3A_218 [1] : vector<16x64x512xf32> to vector<16x512xf32>
    %reduce_max3A_220 = arith.constant dense<0xFF800000> : vector<512xf32>
    %reduce_max3A_221 = vector.multi_reduction <maximumf>, %reduce_sum3A_219, %reduce_max3A_220 [0] : vector<16x512xf32> to vector<512xf32>
    %broadcast_in_dim3A_222 = vector.shape_cast %reduce_max3A_221 : vector<512xf32> to vector<1x512xf32>
    %sub3A_223 = vector.broadcast %broadcast_in_dim3A_222 : vector<1x512xf32> to vector<16x512xf32>
    %sub3A_224 = arith.subf %reduce_sum3A_219, %sub3A_223 : vector<16x512xf32>
    %exp3A_225 = math.exp %sub3A_224 : vector<16x512xf32>
    %reduce_sum3A_226 = arith.constant dense<0.000000e+00> : vector<512xf32>
    %reduce_sum3A_227 = vector.multi_reduction <add>, %exp3A_225, %reduce_sum3A_226 [0] : vector<16x512xf32> to vector<512xf32>
    %broadcast_in_dim3A_228 = vector.shape_cast %reduce_sum3A_227 : vector<512xf32> to vector<1x512xf32>
    %div3A_229 = arith.constant 1.000000e+00 : f32
    %div3A_230 = vector.broadcast %div3A_229 : f32 to vector<1x512xf32>
    %div3A_231 = arith.divf %div3A_230, %broadcast_in_dim3A_228 : vector<1x512xf32>
    %mul3A_232 = vector.broadcast %div3A_231 : vector<1x512xf32> to vector<16x512xf32>
    %mul3A_233 = arith.mulf %exp3A_225, %mul3A_232 : vector<16x512xf32>
    %broadcast_in_dim3A_234 = vector.shape_cast %mul3A_233 : vector<16x512xf32> to vector<16x1x512xf32>
    %mul3A_235 = vector.broadcast %broadcast_in_dim3A_234 : vector<16x1x512xf32> to vector<16x64x512xf32>
    %mul3A_236 = arith.mulf %mul3A_235, %reshape3A_11 : vector<16x64x512xf32>
    %reduce_sum3A_237 = arith.constant dense<0.000000e+00> : vector<64x512xf32>
    %reduce_sum3A_238 = vector.multi_reduction <add>, %mul3A_236, %reduce_sum3A_237 [0] : vector<16x64x512xf32> to vector<64x512xf32>
    %slice3A_239 = vector.extract_strided_slice %reshape3A {offsets = [9, 0, 0], sizes = [1, 64, 512], strides = [1, 1, 1]} : vector<16x64x512xf32> to vector<1x64x512xf32>
    %squeeze3A_240 = vector.shape_cast %slice3A_239 : vector<1x64x512xf32> to vector<64x512xf32>
    %broadcast_in_dim3A_241 = vector.shape_cast %squeeze3A_240 : vector<64x512xf32> to vector<1x64x512xf32>
    %mul3A_242 = vector.broadcast %broadcast_in_dim3A_241 : vector<1x64x512xf32> to vector<16x64x512xf32>
    %mul3A_243 = arith.mulf %mul3A_242, %reshape3A_10 : vector<16x64x512xf32>
    %reduce_sum3A_244 = arith.constant dense<0.000000e+00> : vector<16x512xf32>
    %reduce_sum3A_245 = vector.multi_reduction <add>, %mul3A_243, %reduce_sum3A_244 [1] : vector<16x64x512xf32> to vector<16x512xf32>
    %reduce_max3A_246 = arith.constant dense<0xFF800000> : vector<512xf32>
    %reduce_max3A_247 = vector.multi_reduction <maximumf>, %reduce_sum3A_245, %reduce_max3A_246 [0] : vector<16x512xf32> to vector<512xf32>
    %broadcast_in_dim3A_248 = vector.shape_cast %reduce_max3A_247 : vector<512xf32> to vector<1x512xf32>
    %sub3A_249 = vector.broadcast %broadcast_in_dim3A_248 : vector<1x512xf32> to vector<16x512xf32>
    %sub3A_250 = arith.subf %reduce_sum3A_245, %sub3A_249 : vector<16x512xf32>
    %exp3A_251 = math.exp %sub3A_250 : vector<16x512xf32>
    %reduce_sum3A_252 = arith.constant dense<0.000000e+00> : vector<512xf32>
    %reduce_sum3A_253 = vector.multi_reduction <add>, %exp3A_251, %reduce_sum3A_252 [0] : vector<16x512xf32> to vector<512xf32>
    %broadcast_in_dim3A_254 = vector.shape_cast %reduce_sum3A_253 : vector<512xf32> to vector<1x512xf32>
    %div3A_255 = arith.constant 1.000000e+00 : f32
    %div3A_256 = vector.broadcast %div3A_255 : f32 to vector<1x512xf32>
    %div3A_257 = arith.divf %div3A_256, %broadcast_in_dim3A_254 : vector<1x512xf32>
    %mul3A_258 = vector.broadcast %div3A_257 : vector<1x512xf32> to vector<16x512xf32>
    %mul3A_259 = arith.mulf %exp3A_251, %mul3A_258 : vector<16x512xf32>
    %broadcast_in_dim3A_260 = vector.shape_cast %mul3A_259 : vector<16x512xf32> to vector<16x1x512xf32>
    %mul3A_261 = vector.broadcast %broadcast_in_dim3A_260 : vector<16x1x512xf32> to vector<16x64x512xf32>
    %mul3A_262 = arith.mulf %mul3A_261, %reshape3A_11 : vector<16x64x512xf32>
    %reduce_sum3A_263 = arith.constant dense<0.000000e+00> : vector<64x512xf32>
    %reduce_sum3A_264 = vector.multi_reduction <add>, %mul3A_262, %reduce_sum3A_263 [0] : vector<16x64x512xf32> to vector<64x512xf32>
    %slice3A_265 = vector.extract_strided_slice %reshape3A {offsets = [10, 0, 0], sizes = [1, 64, 512], strides = [1, 1, 1]} : vector<16x64x512xf32> to vector<1x64x512xf32>
    %squeeze3A_266 = vector.shape_cast %slice3A_265 : vector<1x64x512xf32> to vector<64x512xf32>
    %broadcast_in_dim3A_267 = vector.shape_cast %squeeze3A_266 : vector<64x512xf32> to vector<1x64x512xf32>
    %mul3A_268 = vector.broadcast %broadcast_in_dim3A_267 : vector<1x64x512xf32> to vector<16x64x512xf32>
    %mul3A_269 = arith.mulf %mul3A_268, %reshape3A_10 : vector<16x64x512xf32>
    %reduce_sum3A_270 = arith.constant dense<0.000000e+00> : vector<16x512xf32>
    %reduce_sum3A_271 = vector.multi_reduction <add>, %mul3A_269, %reduce_sum3A_270 [1] : vector<16x64x512xf32> to vector<16x512xf32>
    %reduce_max3A_272 = arith.constant dense<0xFF800000> : vector<512xf32>
    %reduce_max3A_273 = vector.multi_reduction <maximumf>, %reduce_sum3A_271, %reduce_max3A_272 [0] : vector<16x512xf32> to vector<512xf32>
    %broadcast_in_dim3A_274 = vector.shape_cast %reduce_max3A_273 : vector<512xf32> to vector<1x512xf32>
    %sub3A_275 = vector.broadcast %broadcast_in_dim3A_274 : vector<1x512xf32> to vector<16x512xf32>
    %sub3A_276 = arith.subf %reduce_sum3A_271, %sub3A_275 : vector<16x512xf32>
    %exp3A_277 = math.exp %sub3A_276 : vector<16x512xf32>
    %reduce_sum3A_278 = arith.constant dense<0.000000e+00> : vector<512xf32>
    %reduce_sum3A_279 = vector.multi_reduction <add>, %exp3A_277, %reduce_sum3A_278 [0] : vector<16x512xf32> to vector<512xf32>
    %broadcast_in_dim3A_280 = vector.shape_cast %reduce_sum3A_279 : vector<512xf32> to vector<1x512xf32>
    %div3A_281 = arith.constant 1.000000e+00 : f32
    %div3A_282 = vector.broadcast %div3A_281 : f32 to vector<1x512xf32>
    %div3A_283 = arith.divf %div3A_282, %broadcast_in_dim3A_280 : vector<1x512xf32>
    %mul3A_284 = vector.broadcast %div3A_283 : vector<1x512xf32> to vector<16x512xf32>
    %mul3A_285 = arith.mulf %exp3A_277, %mul3A_284 : vector<16x512xf32>
    %broadcast_in_dim3A_286 = vector.shape_cast %mul3A_285 : vector<16x512xf32> to vector<16x1x512xf32>
    %mul3A_287 = vector.broadcast %broadcast_in_dim3A_286 : vector<16x1x512xf32> to vector<16x64x512xf32>
    %mul3A_288 = arith.mulf %mul3A_287, %reshape3A_11 : vector<16x64x512xf32>
    %reduce_sum3A_289 = arith.constant dense<0.000000e+00> : vector<64x512xf32>
    %reduce_sum3A_290 = vector.multi_reduction <add>, %mul3A_288, %reduce_sum3A_289 [0] : vector<16x64x512xf32> to vector<64x512xf32>
    %slice3A_291 = vector.extract_strided_slice %reshape3A {offsets = [11, 0, 0], sizes = [1, 64, 512], strides = [1, 1, 1]} : vector<16x64x512xf32> to vector<1x64x512xf32>
    %squeeze3A_292 = vector.shape_cast %slice3A_291 : vector<1x64x512xf32> to vector<64x512xf32>
    %broadcast_in_dim3A_293 = vector.shape_cast %squeeze3A_292 : vector<64x512xf32> to vector<1x64x512xf32>
    %mul3A_294 = vector.broadcast %broadcast_in_dim3A_293 : vector<1x64x512xf32> to vector<16x64x512xf32>
    %mul3A_295 = arith.mulf %mul3A_294, %reshape3A_10 : vector<16x64x512xf32>
    %reduce_sum3A_296 = arith.constant dense<0.000000e+00> : vector<16x512xf32>
    %reduce_sum3A_297 = vector.multi_reduction <add>, %mul3A_295, %reduce_sum3A_296 [1] : vector<16x64x512xf32> to vector<16x512xf32>
    %reduce_max3A_298 = arith.constant dense<0xFF800000> : vector<512xf32>
    %reduce_max3A_299 = vector.multi_reduction <maximumf>, %reduce_sum3A_297, %reduce_max3A_298 [0] : vector<16x512xf32> to vector<512xf32>
    %broadcast_in_dim3A_300 = vector.shape_cast %reduce_max3A_299 : vector<512xf32> to vector<1x512xf32>
    %sub3A_301 = vector.broadcast %broadcast_in_dim3A_300 : vector<1x512xf32> to vector<16x512xf32>
    %sub3A_302 = arith.subf %reduce_sum3A_297, %sub3A_301 : vector<16x512xf32>
    %exp3A_303 = math.exp %sub3A_302 : vector<16x512xf32>
    %reduce_sum3A_304 = arith.constant dense<0.000000e+00> : vector<512xf32>
    %reduce_sum3A_305 = vector.multi_reduction <add>, %exp3A_303, %reduce_sum3A_304 [0] : vector<16x512xf32> to vector<512xf32>
    %broadcast_in_dim3A_306 = vector.shape_cast %reduce_sum3A_305 : vector<512xf32> to vector<1x512xf32>
    %div3A_307 = arith.constant 1.000000e+00 : f32
    %div3A_308 = vector.broadcast %div3A_307 : f32 to vector<1x512xf32>
    %div3A_309 = arith.divf %div3A_308, %broadcast_in_dim3A_306 : vector<1x512xf32>
    %mul3A_310 = vector.broadcast %div3A_309 : vector<1x512xf32> to vector<16x512xf32>
    %mul3A_311 = arith.mulf %exp3A_303, %mul3A_310 : vector<16x512xf32>
    %broadcast_in_dim3A_312 = vector.shape_cast %mul3A_311 : vector<16x512xf32> to vector<16x1x512xf32>
    %mul3A_313 = vector.broadcast %broadcast_in_dim3A_312 : vector<16x1x512xf32> to vector<16x64x512xf32>
    %mul3A_314 = arith.mulf %mul3A_313, %reshape3A_11 : vector<16x64x512xf32>
    %reduce_sum3A_315 = arith.constant dense<0.000000e+00> : vector<64x512xf32>
    %reduce_sum3A_316 = vector.multi_reduction <add>, %mul3A_314, %reduce_sum3A_315 [0] : vector<16x64x512xf32> to vector<64x512xf32>
    %slice3A_317 = vector.extract_strided_slice %reshape3A {offsets = [12, 0, 0], sizes = [1, 64, 512], strides = [1, 1, 1]} : vector<16x64x512xf32> to vector<1x64x512xf32>
    %squeeze3A_318 = vector.shape_cast %slice3A_317 : vector<1x64x512xf32> to vector<64x512xf32>
    %broadcast_in_dim3A_319 = vector.shape_cast %squeeze3A_318 : vector<64x512xf32> to vector<1x64x512xf32>
    %mul3A_320 = vector.broadcast %broadcast_in_dim3A_319 : vector<1x64x512xf32> to vector<16x64x512xf32>
    %mul3A_321 = arith.mulf %mul3A_320, %reshape3A_10 : vector<16x64x512xf32>
    %reduce_sum3A_322 = arith.constant dense<0.000000e+00> : vector<16x512xf32>
    %reduce_sum3A_323 = vector.multi_reduction <add>, %mul3A_321, %reduce_sum3A_322 [1] : vector<16x64x512xf32> to vector<16x512xf32>
    %reduce_max3A_324 = arith.constant dense<0xFF800000> : vector<512xf32>
    %reduce_max3A_325 = vector.multi_reduction <maximumf>, %reduce_sum3A_323, %reduce_max3A_324 [0] : vector<16x512xf32> to vector<512xf32>
    %broadcast_in_dim3A_326 = vector.shape_cast %reduce_max3A_325 : vector<512xf32> to vector<1x512xf32>
    %sub3A_327 = vector.broadcast %broadcast_in_dim3A_326 : vector<1x512xf32> to vector<16x512xf32>
    %sub3A_328 = arith.subf %reduce_sum3A_323, %sub3A_327 : vector<16x512xf32>
    %exp3A_329 = math.exp %sub3A_328 : vector<16x512xf32>
    %reduce_sum3A_330 = arith.constant dense<0.000000e+00> : vector<512xf32>
    %reduce_sum3A_331 = vector.multi_reduction <add>, %exp3A_329, %reduce_sum3A_330 [0] : vector<16x512xf32> to vector<512xf32>
    %broadcast_in_dim3A_332 = vector.shape_cast %reduce_sum3A_331 : vector<512xf32> to vector<1x512xf32>
    %div3A_333 = arith.constant 1.000000e+00 : f32
    %div3A_334 = vector.broadcast %div3A_333 : f32 to vector<1x512xf32>
    %div3A_335 = arith.divf %div3A_334, %broadcast_in_dim3A_332 : vector<1x512xf32>
    %mul3A_336 = vector.broadcast %div3A_335 : vector<1x512xf32> to vector<16x512xf32>
    %mul3A_337 = arith.mulf %exp3A_329, %mul3A_336 : vector<16x512xf32>
    %broadcast_in_dim3A_338 = vector.shape_cast %mul3A_337 : vector<16x512xf32> to vector<16x1x512xf32>
    %mul3A_339 = vector.broadcast %broadcast_in_dim3A_338 : vector<16x1x512xf32> to vector<16x64x512xf32>
    %mul3A_340 = arith.mulf %mul3A_339, %reshape3A_11 : vector<16x64x512xf32>
    %reduce_sum3A_341 = arith.constant dense<0.000000e+00> : vector<64x512xf32>
    %reduce_sum3A_342 = vector.multi_reduction <add>, %mul3A_340, %reduce_sum3A_341 [0] : vector<16x64x512xf32> to vector<64x512xf32>
    %slice3A_343 = vector.extract_strided_slice %reshape3A {offsets = [13, 0, 0], sizes = [1, 64, 512], strides = [1, 1, 1]} : vector<16x64x512xf32> to vector<1x64x512xf32>
    %squeeze3A_344 = vector.shape_cast %slice3A_343 : vector<1x64x512xf32> to vector<64x512xf32>
    %broadcast_in_dim3A_345 = vector.shape_cast %squeeze3A_344 : vector<64x512xf32> to vector<1x64x512xf32>
    %mul3A_346 = vector.broadcast %broadcast_in_dim3A_345 : vector<1x64x512xf32> to vector<16x64x512xf32>
    %mul3A_347 = arith.mulf %mul3A_346, %reshape3A_10 : vector<16x64x512xf32>
    %reduce_sum3A_348 = arith.constant dense<0.000000e+00> : vector<16x512xf32>
    %reduce_sum3A_349 = vector.multi_reduction <add>, %mul3A_347, %reduce_sum3A_348 [1] : vector<16x64x512xf32> to vector<16x512xf32>
    %reduce_max3A_350 = arith.constant dense<0xFF800000> : vector<512xf32>
    %reduce_max3A_351 = vector.multi_reduction <maximumf>, %reduce_sum3A_349, %reduce_max3A_350 [0] : vector<16x512xf32> to vector<512xf32>
    %broadcast_in_dim3A_352 = vector.shape_cast %reduce_max3A_351 : vector<512xf32> to vector<1x512xf32>
    %sub3A_353 = vector.broadcast %broadcast_in_dim3A_352 : vector<1x512xf32> to vector<16x512xf32>
    %sub3A_354 = arith.subf %reduce_sum3A_349, %sub3A_353 : vector<16x512xf32>
    %exp3A_355 = math.exp %sub3A_354 : vector<16x512xf32>
    %reduce_sum3A_356 = arith.constant dense<0.000000e+00> : vector<512xf32>
    %reduce_sum3A_357 = vector.multi_reduction <add>, %exp3A_355, %reduce_sum3A_356 [0] : vector<16x512xf32> to vector<512xf32>
    %broadcast_in_dim3A_358 = vector.shape_cast %reduce_sum3A_357 : vector<512xf32> to vector<1x512xf32>
    %div3A_359 = arith.constant 1.000000e+00 : f32
    %div3A_360 = vector.broadcast %div3A_359 : f32 to vector<1x512xf32>
    %div3A_361 = arith.divf %div3A_360, %broadcast_in_dim3A_358 : vector<1x512xf32>
    %mul3A_362 = vector.broadcast %div3A_361 : vector<1x512xf32> to vector<16x512xf32>
    %mul3A_363 = arith.mulf %exp3A_355, %mul3A_362 : vector<16x512xf32>
    %broadcast_in_dim3A_364 = vector.shape_cast %mul3A_363 : vector<16x512xf32> to vector<16x1x512xf32>
    %mul3A_365 = vector.broadcast %broadcast_in_dim3A_364 : vector<16x1x512xf32> to vector<16x64x512xf32>
    %mul3A_366 = arith.mulf %mul3A_365, %reshape3A_11 : vector<16x64x512xf32>
    %reduce_sum3A_367 = arith.constant dense<0.000000e+00> : vector<64x512xf32>
    %reduce_sum3A_368 = vector.multi_reduction <add>, %mul3A_366, %reduce_sum3A_367 [0] : vector<16x64x512xf32> to vector<64x512xf32>
    %slice3A_369 = vector.extract_strided_slice %reshape3A {offsets = [14, 0, 0], sizes = [1, 64, 512], strides = [1, 1, 1]} : vector<16x64x512xf32> to vector<1x64x512xf32>
    %squeeze3A_370 = vector.shape_cast %slice3A_369 : vector<1x64x512xf32> to vector<64x512xf32>
    %broadcast_in_dim3A_371 = vector.shape_cast %squeeze3A_370 : vector<64x512xf32> to vector<1x64x512xf32>
    %mul3A_372 = vector.broadcast %broadcast_in_dim3A_371 : vector<1x64x512xf32> to vector<16x64x512xf32>
    %mul3A_373 = arith.mulf %mul3A_372, %reshape3A_10 : vector<16x64x512xf32>
    %reduce_sum3A_374 = arith.constant dense<0.000000e+00> : vector<16x512xf32>
    %reduce_sum3A_375 = vector.multi_reduction <add>, %mul3A_373, %reduce_sum3A_374 [1] : vector<16x64x512xf32> to vector<16x512xf32>
    %reduce_max3A_376 = arith.constant dense<0xFF800000> : vector<512xf32>
    %reduce_max3A_377 = vector.multi_reduction <maximumf>, %reduce_sum3A_375, %reduce_max3A_376 [0] : vector<16x512xf32> to vector<512xf32>
    %broadcast_in_dim3A_378 = vector.shape_cast %reduce_max3A_377 : vector<512xf32> to vector<1x512xf32>
    %sub3A_379 = vector.broadcast %broadcast_in_dim3A_378 : vector<1x512xf32> to vector<16x512xf32>
    %sub3A_380 = arith.subf %reduce_sum3A_375, %sub3A_379 : vector<16x512xf32>
    %exp3A_381 = math.exp %sub3A_380 : vector<16x512xf32>
    %reduce_sum3A_382 = arith.constant dense<0.000000e+00> : vector<512xf32>
    %reduce_sum3A_383 = vector.multi_reduction <add>, %exp3A_381, %reduce_sum3A_382 [0] : vector<16x512xf32> to vector<512xf32>
    %broadcast_in_dim3A_384 = vector.shape_cast %reduce_sum3A_383 : vector<512xf32> to vector<1x512xf32>
    %div3A_385 = arith.constant 1.000000e+00 : f32
    %div3A_386 = vector.broadcast %div3A_385 : f32 to vector<1x512xf32>
    %div3A_387 = arith.divf %div3A_386, %broadcast_in_dim3A_384 : vector<1x512xf32>
    %mul3A_388 = vector.broadcast %div3A_387 : vector<1x512xf32> to vector<16x512xf32>
    %mul3A_389 = arith.mulf %exp3A_381, %mul3A_388 : vector<16x512xf32>
    %broadcast_in_dim3A_390 = vector.shape_cast %mul3A_389 : vector<16x512xf32> to vector<16x1x512xf32>
    %mul3A_391 = vector.broadcast %broadcast_in_dim3A_390 : vector<16x1x512xf32> to vector<16x64x512xf32>
    %mul3A_392 = arith.mulf %mul3A_391, %reshape3A_11 : vector<16x64x512xf32>
    %reduce_sum3A_393 = arith.constant dense<0.000000e+00> : vector<64x512xf32>
    %reduce_sum3A_394 = vector.multi_reduction <add>, %mul3A_392, %reduce_sum3A_393 [0] : vector<16x64x512xf32> to vector<64x512xf32>
    %slice3A_395 = vector.extract_strided_slice %reshape3A {offsets = [15, 0, 0], sizes = [1, 64, 512], strides = [1, 1, 1]} : vector<16x64x512xf32> to vector<1x64x512xf32>
    %squeeze3A_396 = vector.shape_cast %slice3A_395 : vector<1x64x512xf32> to vector<64x512xf32>
    %broadcast_in_dim3A_397 = vector.shape_cast %squeeze3A_396 : vector<64x512xf32> to vector<1x64x512xf32>
    %mul3A_398 = vector.broadcast %broadcast_in_dim3A_397 : vector<1x64x512xf32> to vector<16x64x512xf32>
    %mul3A_399 = arith.mulf %mul3A_398, %reshape3A_10 : vector<16x64x512xf32>
    %reduce_sum3A_400 = arith.constant dense<0.000000e+00> : vector<16x512xf32>
    %reduce_sum3A_401 = vector.multi_reduction <add>, %mul3A_399, %reduce_sum3A_400 [1] : vector<16x64x512xf32> to vector<16x512xf32>
    %reduce_max3A_402 = arith.constant dense<0xFF800000> : vector<512xf32>
    %reduce_max3A_403 = vector.multi_reduction <maximumf>, %reduce_sum3A_401, %reduce_max3A_402 [0] : vector<16x512xf32> to vector<512xf32>
    %broadcast_in_dim3A_404 = vector.shape_cast %reduce_max3A_403 : vector<512xf32> to vector<1x512xf32>
    %sub3A_405 = vector.broadcast %broadcast_in_dim3A_404 : vector<1x512xf32> to vector<16x512xf32>
    %sub3A_406 = arith.subf %reduce_sum3A_401, %sub3A_405 : vector<16x512xf32>
    %exp3A_407 = math.exp %sub3A_406 : vector<16x512xf32>
    %reduce_sum3A_408 = arith.constant dense<0.000000e+00> : vector<512xf32>
    %reduce_sum3A_409 = vector.multi_reduction <add>, %exp3A_407, %reduce_sum3A_408 [0] : vector<16x512xf32> to vector<512xf32>
    %broadcast_in_dim3A_410 = vector.shape_cast %reduce_sum3A_409 : vector<512xf32> to vector<1x512xf32>
    %div3A_411 = arith.constant 1.000000e+00 : f32
    %div3A_412 = vector.broadcast %div3A_411 : f32 to vector<1x512xf32>
    %div3A_413 = arith.divf %div3A_412, %broadcast_in_dim3A_410 : vector<1x512xf32>
    %mul3A_414 = vector.broadcast %div3A_413 : vector<1x512xf32> to vector<16x512xf32>
    %mul3A_415 = arith.mulf %exp3A_407, %mul3A_414 : vector<16x512xf32>
    %broadcast_in_dim3A_416 = vector.shape_cast %mul3A_415 : vector<16x512xf32> to vector<16x1x512xf32>
    %mul3A_417 = vector.broadcast %broadcast_in_dim3A_416 : vector<16x1x512xf32> to vector<16x64x512xf32>
    %mul3A_418 = arith.mulf %mul3A_417, %reshape3A_11 : vector<16x64x512xf32>
    %reduce_sum3A_419 = arith.constant dense<0.000000e+00> : vector<64x512xf32>
    %reduce_sum3A_420 = vector.multi_reduction <add>, %mul3A_418, %reduce_sum3A_419 [0] : vector<16x64x512xf32> to vector<64x512xf32>
    %concatenate3A = tpu.concatenate %reduce_sum3A_30, %reduce_sum3A_56, %reduce_sum3A_82, %reduce_sum3A_108, %reduce_sum3A_134, %reduce_sum3A_160, %reduce_sum3A_186, %reduce_sum3A_212, %reduce_sum3A_238, %reduce_sum3A_264, %reduce_sum3A_290, %reduce_sum3A_316, %reduce_sum3A_342, %reduce_sum3A_368, %reduce_sum3A_394, %reduce_sum3A_420 in 0 : vector<64x512xf32>, vector<64x512xf32>, vector<64x512xf32>, vector<64x512xf32>, vector<64x512xf32>, vector<64x512xf32>, vector<64x512xf32>, vector<64x512xf32>, vector<64x512xf32>, vector<64x512xf32>, vector<64x512xf32>, vector<64x512xf32>, vector<64x512xf32>, vector<64x512xf32>, vector<64x512xf32>, vector<64x512xf32> -> vector<1024x512xf32>
    %get3A_421 = arith.constant 0 : index
    %get3A_422 = arith.constant 0 : index
    %get3A_423 = vector.load %arg3[%get3A_421, %get3A_422] : memref<1024x1024xbf16, #tpu.memory_space<vmem>>, vector<1024x1024xbf16>
    %convert_element_type3A = arith.truncf %concatenate3A : vector<1024x512xf32> to vector<1024x512xbf16>
    %dot_general3A_424 = arith.constant dense<0.000000e+00> : vector<1024x512xf32>
    %dot_general3A_425 = tpu.matmul %get3A_423, %convert_element_type3A, %dot_general3A_424 {dimension_numbers = #tpu.dot_dimension_numbers<[1], [0], [0], [1], [0, 0, 1, 1], [], []>, transpose_lhs_hint = false} : vector<1024x1024xbf16>, vector<1024x512xbf16>, vector<1024x512xf32> -> vector<1024x512xf32>
    %get3A_426 = arith.constant 0 : index
    %get3A_427 = arith.constant 0 : index
    %get3A_428 = vector.load %arg4[%get3A_426, %get3A_427] : memref<1024x1xf32, #tpu.memory_space<vmem>>, vector<1024x1xf32>
    %add3A = vector.broadcast %get3A_428 : vector<1024x1xf32> to vector<1024x512xf32>
    %add3A_429 = arith.addf %dot_general3A_425, %add3A : vector<1024x512xf32>
    %swap3A = arith.constant 0 : index
    %swap3A_430 = arith.constant 0 : index
    %swap3A_431 = vector.load %arg5[%swap3A, %swap3A_430] : memref<1024x512xf32, #tpu.memory_space<vmem>>, vector<1024x512xf32>
    tpu.vector_store %arg5[%swap3A, %swap3A_430], %add3A_429 {strides = array<i32>} : memref<1024x512xf32, #tpu.memory_space<vmem>>, vector<1024x512xf32>,
    return
  }
  func.func @transform_0(%arg0: i32) -> (i32, i32) {
    %c0_i32 = arith.constant 0 : i32
    %c0_i32_0 = arith.constant 0 : i32
    return %c0_i32, %arg0 : i32, i32
  }
  func.func @transform_1(%arg0: i32) -> (i32, i32) {
    %c0_i32 = arith.constant 0 : i32
    %c0_i32_0 = arith.constant 0 : i32
    %c0_i32_1 = arith.constant 0 : i32
    return %c0_i32, %c0_i32_0 : i32, i32
  }
  func.func @transform_2(%arg0: i32) -> (i32, i32) {
    %c0_i32 = arith.constant 0 : i32
    %c0_i32_0 = arith.constant 0 : i32
    %c0_i32_1 = arith.constant 0 : i32
    return %c0_i32, %c0_i32_0 : i32, i32
  }
  func.func @transform_3(%arg0: i32) -> (i32, i32) {
    %c0_i32 = arith.constant 0 : i32
    %c0_i32_0 = arith.constant 0 : i32
    %c0_i32_1 = arith.constant 0 : i32
    return %c0_i32, %c0_i32_0 : i32, i32
  }
  func.func @transform_4(%arg0: i32) -> (i32, i32) {
    %c0_i32 = arith.constant 0 : i32
    %c0_i32_0 = arith.constant 0 : i32
    return %c0_i32, %arg0 : i32, i32
  }
}

</mosaic_0001>

<sc_bundles>
// kernel: sparse-core-data-format-call.cloned.1.call-start
scs
called_computation_lowered:
.L_overlay_start_0:
0x0: {  	s2 =	sld [smem:$0x3FD9]  }
0x1: {  	s3 =	sld [smem:$0x3FFE];
	_ =	sdelay $0x1  }
0x2: {  	s1 =	srdreg.scid  }
0x3: {  	s0 =	sand.u32 $0x1, s1  }
0x4: {  	s18 =	sshll.u32 s0, $0xA;
	s2 =	sadd.s32 s3, s2  }
0x5: {  	s2 =	sadd.s32 s2, s18  }
0x6: {  	[smem:$0x3FC4] =	sst s2  }
0x7: {  	_ = 	snop  }
0x8: {  	s2 =	sld [smem:$0x3FD0];
	(tm) =	ssettm $0x1  }
0x9: {  	s19 =	sld [smem:$0x3FFB];
	_ =	sdelay $0x3  }
0xa: {  	_ =	strace s19  }
0xb: {  	s3 =	sld [smem:$0x3FFC];
	_ =	sdelay $0x3  }
0xc: {  	_ =	strace s3  }
0xd: {  	s3 =	sld [smem:$0x3FFD];
	_ =	sdelay $0x3  }
0xe: {  	_ =	strace s3  }
0xf: {  	_ =	strace $0x8FFFFFFF  }
0x10: {  	s20 =	sld [smem:$0x3FDB];
	_ =	sdelay $0x1  }
0x11: {  	s4 =	simm.s32 $_scs_section_size  }
0x12: {  	s5 =	simm.s32 $_size__tile_overlayer_lowered;
	s6 =	simm.s32 $_tile_overlayer_lowered  }
0x13: {  	s23 =	simm.s32 $0x1BFF;
	s22 =	sshll.u32 s6, $0x1;
	s3 =	sadd.s32 s4, s20  }
0x14: {  	s7 =	simm.s32 $0x0;
	s21 =	sshll.u32 s5, $0x1;
	s5 =	sadd.s32 s22, s3  }
0x15: {  	[timem:s7], [sflag:s23] =	dma.local [hbm:s5], s21  }
0x16: {  	_ =	swait.ge [sflag:s23], s21  }
0x17: {  	s4 =	ssub.s32 $0x0, s21;
	[sflag:s23] =	ssyncset.done $0x0  }
0x18: {  	[sflag:s23] =	ssyncadd.s32 s4;
	_ =	sdelay $0x1  }
0x19: {  	s24 =	simm.s32 $0x1B8B  }
0x1a: {  	_ =	swait.ge [sflag:s24], $0x1  }
0x1b: {  	[sflag:s24] =	ssyncset.done $0x0  }
0x1c: {  	s26 =	simm.s32 $0x1B8E;
	s25 =	sld [smem:$0x3FFE];
	[sflag:s24] =	ssyncadd.s32 $0xFFFFFFFF  }
0x1d: {  	s27 =	simm.s32 $execute0_lowered;
	[smem:$0x3FD2] =	sst s26  }
0x1e: {  	s5 =	sshll.u32 s27, $0x1;
	_ =	strace $0x80000046;
	[dreg:$0x1] =	wrdreg $0xFFFFFFFF  }
0x1f: {  	s28 =	simm.s32 $_size_execute0_lowered;
	s3 =	sadd.s32 s3, s5;
	[dreg:$0x0] =	wrdreg $0x0  }
0x20: {  	s5 =	sshll.u32 s28, $0x1;
	[dreg:$0x2] =	wrdreg s3  }
0x21: {  	[dreg:$0x3] =	wrdreg s5  }
0x22: {  	[dreg:$0x4] =	wrdreg $0xC0  }
0x23: {  	_ =	task [dreg:s7], $0x5FFFF  }
0x24: {  	[dreg:$0x1] =	wrdreg $0xFFFFFFFF  }
0x25: {  	[dreg:$0x0] =	wrdreg $0x60  }
0x26: {  	[dreg:$0x2] =	wrdreg s25  }
0x27: {  	[dreg:$0x3] =	wrdreg s2  }
0x28: {  	[dreg:$0x4] =	wrdreg $0x9  }
0x29: {  	_ =	task.clear_ibuf [dreg:s7], $0x5FFFF;
	_ =	strace $0x90000046  }
0x2a: {  	s29 =	simm.s32 $0x9;
	_ =	strace $0x80000048  }
0x2b: {  	_ =	swait.ge [sflag:s29], $0x1  }
0x2c: {  	[sflag:s29] =	ssyncadd.s32 $0xFFFFFFFF  }
0x2d: {  	_ =	strace $0x90000048  }
0x2e: {  	_ =	sfence  }
0x2f: {  	s30 =	sld [smem:$0x0];
	_ =	sdelay $0x2  }
0x30: {  	s31 =	sshll.u32 s1, $0xD;
	s1 =	sshrl.u32 s1, $0x2  }
0x31: {  	s3 =	sand.u32 $0x4000, s31;
	s1 =	sadd.s32 s1, s30  }
0x32: {  	s0 =	sor.u32 s3, s0;
	s1 =	sshll.u32 s1, $0x11  }
0x33: {  	s0 =	sor.u32 s1, s0  }
0x34: {  	s0 =	sadd.s32 $0x8F2B, s0  }
0x35: {  	[sflag:s0] =	ssyncadd.remote.s32 $0x1  }
0x36: {  	_ =	sfence.sel $0xFFFF  }
0x37: {  	[dreg:$0x0] =	wrdreg $0xFFFFFFFF;
	(pc) =	sbr.abs _section_cstart, $3  }
0x38: {  	[dreg:$0x1] =	wrdreg $0xFFFFFFFF  }
0x39: {  	_ =	task.clear_ibuf [dreg:s7], $0x2FFFF;
	_ =	strace $0x9FFFFFFF  }
0x3a: {  	(tm) =	ssettm $0x7FFFFFFF  }
0x3b: {  	_ =	shalt  }
tec
execute0_lowered:
.L_overlay_start_1:
0x0: {  	(tag) =	ssettag $0x1  }
0x1: {  	s7 =	rddreg [dreg:$0x0];
	s0 =	stileid.u32  }
0x2: {  	s1 =	srdreg.scid;
	s2 =	rddreg [dreg:$0x1];
	s31 =	simm.s32 $0x2  }
0x3: {  	s14 =	simm.s32 $0x0;
	s13 =	simm.s32 $0x0;
	s12 =	simm.s32 $0x0  }
0x4: {  	s3 =	sshll.u32 s0, $0x7;
	s4 =	sshll.u32 s0, $0x4;
	s1 =	sshll.u32 s1, $0x8  }
0x5: {  	s3 =	sand.u32 $0x380, s3;
	s4 =	sor.u32 s4, s1;
	s1 =	rddreg [dreg:$0x2]  }
0x6: {  	_ =	strace $0x80000047;
	s4 =	sand.u32 $0x180, s4;
	s5 =	ssub.s32 $0x400, s3  }
0x7: {  	s6 =	sand.u32 $0x380, s5;
	s8 =	ssub.s32 $0x2000, s4;
	s10 =	sshrl.u32 s5, $0xA  }
0x8: {  	p0 =	sne.s32 s6, $0x0;
	s6 =	simm.s32 $0x1;
	s9 =	sand.u32 $0x180, s8  }
0x9: {  	s6 =	simm.s32 @!p0 $0x0;
	p0 =	sne.s32 s9, $0x0;
	s9 =	simm.s32 $0x1  }
.Ltmp0:
0xa: {  	s8 =	sshrl.u32 s8, $0x9;
	s9 =	simm.s32 @!p0 $0x0;
	(pc) =	sbr.rel .LBB1_1-.Ltmp0, $4  }
0xb: {  	s5 =	simm.s32 $0x1;
	s6 =	sadd.s32 s6, s10;
	s8 =	sadd.s32 s9, s8  }
0xc: {  	s7 =	sadd.s32 $0x400, s7;
	[sflag:s5] =	ssyncpa.u1 $0x0;
	s6 =	smul.u32 s6, s8  }
0xd: {  	s11 =	smov.u32 s3;
	[sflag:s31] =	ssyncpa.u1 $0x0;
	p0 =	por $0x0, $0x0  }
0xe: {  	s10 =	smov.u32 s4;
	s9 =	simm.s32 $0x2000;
	s8 =	sadd.s32 $0x1, s6  }
.LBB1_4:
0xf: {  	v5 =	vld [tilespmem:s18+$0xFFFFFFD0];
	[tilespmem:s17+$0x2040 ss:$0x81] =	vst.msk $0xffff, v1  }
0x10: {  	v58 =	vld [tilespmem:s18+$0xFFFFFFE0];
	[tilespmem:s17+$0x2850 ss:$0x81] =	vst.msk $0xffff, v2  }
0x11: {  	s19 =	sshra.s32 s19, $0x2;
	v59 =	vld [tilespmem:s18+$0xFFFFFFF0];
	[tilespmem:s17+$0x3060 ss:$0x81] =	vst.msk $0xffff, v3  }
0x12: {  	v60 =	vld [tilespmem:s18+$0x0];
	[tilespmem:s17+$0x0 ss:$0x81] =	vst.msk $0xffff, v0;
	s16 =	sadd.s32 s19, s16  }
0x13: {  	v61 =	vld [tilespmem:s18+$0x10];
	[tilespmem:s16+$0x3870 ss:$0x81] =	vst.msk $0xffff, v4  }
0x14: {  	v62 =	vld [tilespmem:s18+$0x20];
	s26 =	sshll.u32 s14, $0xA;
	s27 =	sshll.u32 s13, $0x3;
	[tilespmem:s16+$0x810 ss:$0x81] =	vst.msk $0xffff, v5  }
0x15: {  	v63 =	vld [tilespmem:s18+$0xFFFFFFC0];
	s29 =	sshll.u32 s14, $0x7;
	s17 =	sand.u32 $0x7FE000, s26;
	s28 =	sand.u32 $0x7FFC00, s27;
	[tilespmem:s16+$0x1020 ss:$0x81] =	vst.msk $0xffff, v58  }
0x16: {  	s30 =	sand.u32 $0x78, s13;
	s14 =	sand.u32 $0x380, s29;
	s17 =	sadd.s32 s28, s17;
	[tilespmem:s16+$0x1830 ss:$0x81] =	vst.msk $0xffff, v59  }
0x17: {  	s14 =	sor.u32 s30, s14;
	s17 =	sand.u32 $0x7FFC00, s17;
	[tilespmem:s16+$0x2040 ss:$0x81] =	vst.msk $0xffff, v60  }
0x18: {  	s31 =	sand.u32 $0x7, s13;
	s14 =	sor.u32 s17, s14;
	[tilespmem:s16+$0x2850 ss:$0x81] =	vst.msk $0xffff, v61  }
0x19: {  	s13 =	sshll.u32 s31, $0x12;
	[tilespmem:s16+$0x3060 ss:$0x81] =	vst.msk $0xffff, v62;
	s14 =	sshrl.u32 s14, $0x3  }
0x1a: {  	s13 =	sor.u32 $0x400, s13;
	[tilespmem:s16+$0x0 ss:$0x81] =	vst.msk $0xffff, v63;
	s14 =	sadd.s32 s2, s14  }
0x1b: {  	[hbm4b:s14+s13] =	stream.strided.scatter [tilespmem:s15], [sflag:$0x2], $0x4000, s9, s13, $0x20;
	[tilespmem:$0x10100] =	vst v63  }
.LBB1_5:
0x1c: {  	s15 =	sadd.s32 $0x200, s10  }
0x1d: {  	s13 =	sadd.s32 $0x400, s11;
	s17 =	smov.u32 s11;
	p2 =	sgt.s32 s15, $0x1FFF  }
0x1e: {  	s17 =	smov.u32 @p2 s13  }
0x1f: {  	s15 =	smov.u32 @p2 s4;
	p2 =	sgt.s32 s17, $0x3FF  }
0x20: {  	s17 =	smov.u32 @p2 s3;
	p2 =	sne.s32 s12, s8  }
.Ltmp1:
0x21: {  	p1 =	slt.u32 s12, $0x2;
	(pc) =	sbr.rel @!p2 .LBB1_6-.Ltmp1, $4  }
0x22: {  	s16 =	simm.s32 @!p1 $0x2  }
0x23: {  	s14 =	smov.u32 s10;
	p0 =	por !p0, !p0;
	_ =	swait.ge @!p1 [sflag:s16], $0x4000  }
0x24: {  	s13 =	smov.u32 s11;
	[sflag:s16] =	ssyncset.done @!p1 $0x0;
	s10 =	smov.u32 s15  }
0x25: {  	s12 =	sadd.s32 $0x1, s12;
	[sflag:s16] =	ssyncadd.s32 @!p1 $0xFFFFC000;
	s11 =	smov.u32 s17  }
.LBB1_1:
0x26: {  	p1 =	sge.u32 s12, s6;
	s31 =	sadd.s32 $0xFFFFFFFF, s12  }
0x27: {  	s15 =	sand.u32 @!p1 $0x78, s10;
	s16 =	sshll.u32 @!p1 s11, $0xD;
	s17 =	sshll.u32 @!p1 s11, $0x7  }
0x28: {  	s18 =	sshll.u32 @!p1 s10, $0x3;
	s16 =	sand.u32 @!p1 $0x7F0000, s16;
	s17 =	sand.u32 @!p1 $0x380, s17  }
0x29: {  	s16 =	sadd.s32 @!p1 s16, s18;
	s18 =	sand.u32 @!p1 $0x1C00, s18;
	s15 =	sor.u32 @!p1 s17, s15  }
0x2a: {  	s17 =	sxor.u32 @!p1 $0xFFFFFFFF, s12;
	s16 =	sand.u32 @!p1 $0x7FE000, s16;
	s15 =	sor.u32 @!p1 s18, s15  }
0x2b: {  	s17 =	sshll.u32 @!p1 s17, $0xE;
	s15 =	sor.u32 @!p1 s16, s15;
	s16 =	sand.u32 @!p1 $0x7, s10  }
0x2c: {  	s18 =	simm.s32 @!p1 $0x10000;
	s15 =	sshrl.u32 @!p1 s15, $0x3;
	s16 =	sshll.u32 @!p1 s16, $0x12  }
0x2d: {  	s17 =	sand.u32 @!p1 $0x4000, s17;
	s15 =	sadd.s32 @!p1 s7, s15;
	s16 =	sor.u32 @!p1 $0x400, s16  }
0x2e: {  	[tilespmem:s17], [sflag:$0x1] =	stream.strided.gather @!p1 [hbm4b:s15+s16], $0x4000, s18, s16, $0x38;
	[tilespmem:$0x10100] =	vst v63  }
0x2f: {  	p1 =	sge.u32 s31, s6  }
.Ltmp2:
0x30: {  	_ = 	snop;
	(pc) =	sbr.rel @p1 .LBB1_5-.Ltmp2, $1  }
0x31: {  	_ =	sdelay $0x3  }
0x32: {  	s15 =	simm.s32 $0x1  }
0x33: {  	_ =	swait.ge [sflag:s5], $0x4000;
	s15 =	simm.s32 @!p0 $0x0  }
0x34: {  	[sflag:s5] =	ssyncset.done $0x0;
	s16 =	sshll.u32 s15, $0xE  }
0x35: {  	[sflag:s5] =	ssyncadd.s32 $0xFFFFC000;
	s18 =	sor.u32 $0x40, s16  }
0x36: {  	s15 =	smul.u32 $0x10200, s15;
	v0 =	vld [tilespmem:s18+$0x30]  }
0x37: {  	v3 =	vld [tilespmem:s18+$0xFFFFFFD0]  }
0x38: {  	s15 =	sshrl.u32 s15, $0x2;
	v4 =	vld [tilespmem:s18+$0xFFFFFFE0]  }
0x39: {  	v5 =	vld [tilespmem:s18+$0xFFFFFFF0];
	s16 =	sor.u32 $0x8000, s15  }
0x3a: {  	s31 =	sand.u32 $0x1, s12;
	v1 =	vld [tilespmem:s18+$0x0];
	s17 =	sadd.s32 $0x0, s16  }
0x3b: {  	v2 =	vld [tilespmem:s18+$0x10];
	s15 =	smul.u32 $0x10200, s31;
	[tilespmem:s17+$0x3870 ss:$0x81] =	vst.msk $0xffff, v0  }
0x3c: {  	[tilespmem:s17+$0x810 ss:$0x81] =	vst.msk $0xffff, v3;
	v3 =	vld [tilespmem:s18+$0x20]  }
0x3d: {  	s15 =	sshrl.u32 s15, $0x2;
	v0 =	vld [tilespmem:s18+$0xFFFFFFC0];
	[tilespmem:s17+$0x1020 ss:$0x81] =	vst.msk $0xffff, v4;
	s18 =	sadd.s32 $0x80, s18  }
0x3e: {  	s19 =	simm.s32 $0x4;
	s20 =	simm.s32 $0x8;
	s15 =	sor.u32 $0x8000, s15;
	[tilespmem:s17+$0x1830 ss:$0x81] =	vst.msk $0xffff, v5;
	v4 =	vld [tilespmem:s18+$0x30]  }
.LBB1_3:
0x3f: {  	p1 =	sne.s32 s20, $0x1FC;
	v5 =	vld [tilespmem:s18+$0xFFFFFFD0];
	[tilespmem:s17+$0x2040 ss:$0x81] =	vst.msk $0xffff, v1  }
0x40: {  	v6 =	vld [tilespmem:s18+$0xFFFFFFE0];
	[tilespmem:s17+$0x2850 ss:$0x81] =	vst.msk $0xffff, v2  }
0x41: {  	s21 =	sshra.s32 s19, $0x2;
	s19 =	smov.u32 s20;
	v7 =	vld [tilespmem:s18+$0xFFFFFFF0];
	[tilespmem:s17+$0x3060 ss:$0x81] =	vst.msk $0xffff, v3  }
.Ltmp3:
0x42: {  	v1 =	vld [tilespmem:s18+$0x0];
	[tilespmem:s17+$0x0 ss:$0x81] =	vst.msk $0xffff, v0;
	s17 =	sadd.s32 s21, s16;
	(pc) =	sbr.rel @p1 .LBB1_3-.Ltmp3, $4  }
0x43: {  	v2 =	vld [tilespmem:s18+$0x10];
	[tilespmem:s17+$0x3870 ss:$0x81] =	vst.msk $0xffff, v4  }
0x44: {  	[tilespmem:s17+$0x810 ss:$0x81] =	vst.msk $0xffff, v5;
	v3 =	vld [tilespmem:s18+$0x20]  }
0x45: {  	v0 =	vld [tilespmem:s18+$0xFFFFFFC0];
	[tilespmem:s17+$0x1020 ss:$0x81] =	vst.msk $0xffff, v6;
	s18 =	sadd.s32 $0x80, s18  }
0x46: {  	s20 =	sadd.s32 $0x4, s20;
	v4 =	vld [tilespmem:s18+$0x30];
	[tilespmem:s17+$0x1830 ss:$0x81] =	vst.msk $0xffff, v7  }
.Ltmp4:
0x47: {  	_ = 	snop;
	(pc) =	sbr.rel .LBB1_4-.Ltmp4, $1  }
0x48: {  	_ =	sdelay $0x3  }
.LBB1_6:
0x49: {  	_ =	sfence.sel $0x180000  }
0x4a: {  	s2 =	simm.s32 $0x1;
	[bflag:$0x0] =	sbarrier.arrive $0xFFFF  }
0x4b: {  	s31 =	simm.s32 $0x2;
	[sflag:s2] =	ssyncpa.u1 $0x1  }
0x4c: {  	[sflag:s31] =	ssyncpa.u1 $0x1  }
0x4d: {  	p0 =	sne.s32 s0, $0x0;
	_ =	strace $0x90000047  }
0x4e: {  	s0 =	sadd.s32 @!p0 $0x100000, s1;
	[bflag:$0x2] =	sbarrier.arrive $0xFFFF  }
0x4f: {  	[sflag:s0] =	ssyncadd.tile.s32 @!p0 $0x1;
	_ =	shalt  }
.Lfunc_end1:
_tile_overlayer_lowered:
.L_overlay_start_2:
0x50: {  	(tag) =	ssettag $0x2  }
0x51: {  	s0 =	rddreg [dreg:$0x0];
	s2 =	stileid.u32  }
0x52: {  	s1 =	rddreg [dreg:$0x1];
	p0 =	sne.s32 s2, $0x0  }
0x53: {  	s3 =	rddreg [dreg:$0x2];
	[bflag:$0x3] =	sbarrier.arrive $0xFFFF;
	s2 =	simm.s32 @!p0 $0x1C01  }
0x54: {  	[timem:s3], [sflag:s2] =	dma.local @!p0 [hbm:s0], s1  }
0x55: {  	s0 =	simm.s32 @!p0 $0x1  }
0x56: {  	_ =	swait.ge @!p0 [sflag:s0], s1  }
0x57: {  	s1 =	ssub.s32 @!p0 $0x0, s1;
	[sflag:s0] =	ssyncset.done @!p0 $0x0  }
0x58: {  	[sflag:s0] =	ssyncadd.s32 @!p0 s1  }
0x59: {  	[bflag:$0x3] =	sbarrier.arrive $0xFFFF  }
0x5a: {  	_ =	shalt  }

</sc_bundles>
